<compile_context>
chip_gen: v7x
topology: tpu7x:2x2x1
jax: 0.10.2.dev20260603
libtpu: 0.0.44.dev20260713+nightly
codegen_flags: <defaults>
</compile_context>

<pallas_src>
import functools

import jax
import jax.numpy as jnp
from jax import lax
from jax.experimental import pallas as pl
from jax.experimental.pallas import tpu as pltpu
from jax.experimental.pallas import tpu_sc as plsc

VOCAB = 1000
B, L = 1024, 50
NC, NS = 2, 16
NW = NC * NS
BPW = B // NW
TPW = BPW * L
NG = (L + 15) // 16
NPAIR = BPW // 2


def _scatter_val(buf, x_v, c, val):
    lane = lax.iota(jnp.int32, 16)
    vals = jnp.full((16,), val, jnp.float32)
    for g in range(NG):
        l_idx = lane + g * 16
        xs = x_v[pl.ds(c * L + g * 16, 16)]
        if (g + 1) * 16 <= L:
            plsc.store_scatter(buf, [l_idx, xs], vals)
        else:
            plsc.store_scatter(buf, [l_idx, xs], vals, mask=l_idx < L)


def _body(x_hbm, out_hbm, x_v, buf0, buf1, sem0, sem1):
    wid = lax.axis_index("c") * NS + lax.axis_index("s")
    b_base = wid * BPW
    pltpu.sync_copy(x_hbm.at[pl.ds(b_base * L, TPW)], x_v.at[pl.ds(0, TPW)])

    bufs = (buf0, buf1)
    sems = (sem0, sem1)

    zero16 = jnp.zeros((16,), jnp.float32)

    def zrow(r, carry):
        def zcol(g, carry2):
            buf0[r, pl.ds(g * 16, 16)] = zero16
            buf1[r, pl.ds(g * 16, 16)] = zero16
            return carry2

        lax.fori_loop(0, VOCAB // 16, zcol, 0)
        buf0[r, pl.ds(VOCAB - 16, 16)] = zero16
        buf1[r, pl.ds(VOCAB - 16, 16)] = zero16
        return carry

    lax.fori_loop(0, L, zrow, 0)

    for b in range(2):
        _scatter_val(bufs[b], x_v, b, 1.0)
        pltpu.async_copy(bufs[b], out_hbm.at[b_base + b], sems[b])

    def pair(p, carry):
        for b in range(2):
            c = p * 2 + b
            pltpu.make_async_copy(
                bufs[b], out_hbm.at[b_base], sems[b]).wait()
            _scatter_val(bufs[b], x_v, c - 2, 0.0)
            _scatter_val(bufs[b], x_v, c, 1.0)
            pltpu.async_copy(bufs[b], out_hbm.at[b_base + c], sems[b])
        return carry

    lax.fori_loop(1, NPAIR, pair, 0)

    for b in range(2):
        pltpu.make_async_copy(bufs[b], out_hbm.at[b_base], sems[b]).wait()


def kernel(x, table):
    del table
    x_flat = x.reshape(B * L).astype(jnp.int32)
    mesh = plsc.VectorSubcoreMesh(core_axis_name="c", subcore_axis_name="s")
    run = functools.partial(
        pl.kernel,
        mesh=mesh,
        out_type=jax.ShapeDtypeStruct((B, L, VOCAB), jnp.float32),
        compiler_params=pltpu.CompilerParams(needs_layout_passes=False),
        scratch_types=[
            pltpu.VMEM((TPW + 16,), jnp.int32),
            pltpu.VMEM((L, VOCAB), jnp.float32),
            pltpu.VMEM((L, VOCAB), jnp.float32),
            pltpu.SemaphoreType.DMA,
            pltpu.SemaphoreType.DMA,
        ],
    )(_body)
    return run(x_flat)

# --- scband reference (transcript-rebuilt; emitter-appended) ---
"""Pipeline reference for scband-one-hot-embedding-43946105373101 (READ-ONLY COPY).

The authoritative reference and input builder live on the scoring server;
editing this copy changes nothing except your own understanding.
"""

import jax, jax.numpy as jnp
import numpy as np

VOCAB = 1000
B, L = 1024, 50

def setup_inputs(seed: int = 0) -> dict:
    key = jax.random.key(seed)
    k1, _ = jax.random.split(key)
    x = jax.random.randint(k1, (B, L), 0, VOCAB, dtype=jnp.int64 if jax.config.jax_enable_x64 else jnp.int32)
    table = jnp.eye(VOCAB, dtype=jnp.float32)
    return {"x": x, "table": table}

def reference(x, table):
    # nn.Embedding.from_pretrained(torch.eye(V))(x) == eye_table[x]
    return jnp.take(table, x, axis=0)

if __name__ == "__main__":
    import jax
    _d = setup_inputs()
    print(jax.jit(kernel)(*tuple(_d.values())))

</pallas_src>

<mosaic_0001>
#map = affine_map<(d0, d1) -> (0)>
#map1 = affine_map<(d0, d1) -> (0, 0, 0)>
module attributes {stable_mosaic.version = 14 : i64} {
  func.func @_body(%arg0: i32, %arg1: i32, %arg2: memref<51200xi32, #tpu.memory_space<hbm>>, %arg3: memref<1024x50x1000xf32, #tpu.memory_space<hbm>>, %arg4: memref<1616xi32, #tpu.memory_space<vmem>>, %arg5: memref<50x1000xf32, #tpu.memory_space<vmem>>, %arg6: memref<50x1000xf32, #tpu.memory_space<vmem>>, %arg7: memref<!tpu.dma_semaphore, #tpu.memory_space<semaphore_mem>>, %arg8: memref<!tpu.dma_semaphore, #tpu.memory_space<semaphore_mem>>) attributes {dimension_semantics = [#tpu.dimension_semantics<core_parallel>, #tpu.dimension_semantics<subcore_parallel>], iteration_bounds = array<i64: 2, 16>, scalar_prefetch = 0 : i64, scratch_operands = 5 : i64, tpu.core_type = #tpu.core_type<sc_vector_subcore>, window_params = [{transform_indices = #map}, {transform_indices = #map1}]} {
    %mul3A = arith.constant 16 : i32
    %mul3A_0 = arith.muli %arg0, %mul3A : i32
    %add3A = arith.addi %mul3A_0, %arg1 : i32
    %mul3A_1 = arith.constant 32 : i32
    %mul3A_2 = arith.muli %add3A, %mul3A_1 : i32
    %mul3A_3 = arith.constant 50 : i32
    %mul3A_4 = arith.muli %mul3A_2, %mul3A_3 : i32
    "tpu.region"() ({
      %run_scoped3A = tpu.sem_alloc : memref<!tpu.dma_semaphore, #tpu.memory_space<semaphore_mem>>
      %dma_start3A_100 = arith.constant 0 : i32
      %dma_start3A_101 = tpu.memref_slice %arg4[%dma_start3A_100] : memref<1616xi32, #tpu.memory_space<vmem>> -> memref<1600xi32, #tpu.memory_space<vmem>>
      %dma_start3A_102 = tpu.memref_slice %arg2[%mul3A_4] : memref<51200xi32, #tpu.memory_space<hbm>> -> memref<1600xi32, #tpu.memory_space<hbm>>
      %dma_start3A_103 = arith.constant 0 : i32
      %dma_start3A_104 = tpu.memref_slice %arg4[%dma_start3A_103] : memref<1616xi32, #tpu.memory_space<vmem>> -> memref<1600xi32, #tpu.memory_space<vmem>>
      %dma_start3A_105 = tpu.memref_slice %arg2[%mul3A_4] : memref<51200xi32, #tpu.memory_space<hbm>> -> memref<1600xi32, #tpu.memory_space<hbm>>
      tpu.enqueue_dma source(%dma_start3A_105 : memref<1600xi32, #tpu.memory_space<hbm>>) target(%dma_start3A_104 : memref<1600xi32, #tpu.memory_space<vmem>>) target_semaphore(%run_scoped3A : memref<!tpu.dma_semaphore, #tpu.memory_space<semaphore_mem>>)
      %dma_wait3A_106 = arith.constant 0 : i32
      %dma_wait3A_107 = tpu.memref_slice %arg4[%dma_wait3A_106] : memref<1616xi32, #tpu.memory_space<vmem>> -> memref<1600xi32, #tpu.memory_space<vmem>>
      %dma_wait3A_108 = tpu.memref_slice %arg2[%mul3A_4] : memref<51200xi32, #tpu.memory_space<hbm>> -> memref<1600xi32, #tpu.memory_space<hbm>>
      %dma_wait3A_109 = arith.constant 0 : i32
      %dma_wait3A_110 = tpu.memref_slice %arg4[%dma_wait3A_109] : memref<1616xi32, #tpu.memory_space<vmem>> -> memref<1600xi32, #tpu.memory_space<vmem>>
      %dma_wait3A_111 = tpu.memref_slice %arg2[%mul3A_4] : memref<51200xi32, #tpu.memory_space<hbm>> -> memref<1600xi32, #tpu.memory_space<hbm>>
      tpu.wait_dma2 semaphore(%run_scoped3A : memref<!tpu.dma_semaphore, #tpu.memory_space<semaphore_mem>>) src(%dma_wait3A_111 : memref<1600xi32, #tpu.memory_space<hbm>>) dst(%dma_wait3A_110 : memref<1600xi32, #tpu.memory_space<vmem>>)
      tpu.yield
    }) : () -> ()
    %broadcast_in_dim3A = arith.constant 0.000000e+00 : f32
    %broadcast_in_dim3A_5 = vector.broadcast %broadcast_in_dim3A : f32 to vector<16xf32>
    %scan3A = arith.constant 0 : i32
    %scan3A_6 = arith.constant 0 : i32
    %scan3A_7 = arith.constant 50 : i32
    %scan3A_8 = arith.addi %scan3A_6, %scan3A_7 : i32
    %scan3A_9 = arith.constant 1 : i32
    scf.for %scan3A_100 = %scan3A_6 to %scan3A_8 step %scan3A_9  : i32 {
      %scan3A_101 = arith.constant 0 : i32
      %scan3A_102 = arith.constant 0 : i32
      %scan3A_103 = arith.constant 62 : i32
      %scan3A_104 = arith.addi %scan3A_102, %scan3A_103 : i32
      %scan3A_105 = arith.constant 1 : i32
      scf.for %scan3A_112 = %scan3A_102 to %scan3A_104 step %scan3A_105  : i32 {
        %mul3A_113 = arith.constant 16 : i32
        %mul3A_114 = arith.muli %scan3A_112, %mul3A_113 : i32
        %swap3A_115 = arith.index_cast %scan3A_100 : i32 to index
        %swap3A_116 = arith.index_cast %mul3A_114 : i32 to index
        %swap3A_117 = tpu.vector_load %arg5[%swap3A_115, %swap3A_116] {strides = array<i32>} : memref<50x1000xf32, #tpu.memory_space<vmem>>, vector<16xf32>,
        tpu.vector_store %arg5[%swap3A_115, %swap3A_116], %broadcast_in_dim3A_5 {strides = array<i32>} : memref<50x1000xf32, #tpu.memory_space<vmem>>, vector<16xf32>,
        %mul3A_118 = arith.constant 16 : i32
        %mul3A_119 = arith.muli %scan3A_112, %mul3A_118 : i32
        %swap3A_120 = arith.index_cast %scan3A_100 : i32 to index
        %swap3A_121 = arith.index_cast %mul3A_119 : i32 to index
        %swap3A_122 = tpu.vector_load %arg6[%swap3A_120, %swap3A_121] {strides = array<i32>} : memref<50x1000xf32, #tpu.memory_space<vmem>>, vector<16xf32>,
        tpu.vector_store %arg6[%swap3A_120, %swap3A_121], %broadcast_in_dim3A_5 {strides = array<i32>} : memref<50x1000xf32, #tpu.memory_space<vmem>>, vector<16xf32>,
      }
      %scan3A_106 = arith.constant 62 : i32
      %swap3A = arith.index_cast %scan3A_100 : i32 to index
      %swap3A_107 = arith.constant 984 : index
      %swap3A_108 = tpu.vector_load %arg5[%swap3A, %swap3A_107] {strides = array<i32>} : memref<50x1000xf32, #tpu.memory_space<vmem>>, vector<16xf32>,
      tpu.vector_store %arg5[%swap3A, %swap3A_107], %broadcast_in_dim3A_5 {strides = array<i32>} : memref<50x1000xf32, #tpu.memory_space<vmem>>, vector<16xf32>,
      %swap3A_109 = arith.index_cast %scan3A_100 : i32 to index
      %swap3A_110 = arith.constant 984 : index
      %swap3A_111 = tpu.vector_load %arg6[%swap3A_109, %swap3A_110] {strides = array<i32>} : memref<50x1000xf32, #tpu.memory_space<vmem>>, vector<16xf32>,
      tpu.vector_store %arg6[%swap3A_109, %swap3A_110], %broadcast_in_dim3A_5 {strides = array<i32>} : memref<50x1000xf32, #tpu.memory_space<vmem>>, vector<16xf32>,
    }
    %scan3A_10 = arith.constant 50 : i32
    %iota3A = tpu.iota {dimensions = array<i32: 0>} : vector<16xi32>
    %broadcast_in_dim3A_11 = arith.constant 1.000000e+00 : f32
    %broadcast_in_dim3A_12 = vector.broadcast %broadcast_in_dim3A_11 : f32 to vector<16xf32>
    %add3A_13 = arith.constant 0 : i32
    %add3A_14 = vector.broadcast %add3A_13 : i32 to vector<16xi32>
    %add3A_15 = arith.addi %iota3A, %add3A_14 : vector<16xi32>
    %get3A = arith.constant 0 : index
    %get3A_16 = tpu.vector_load %arg4[%get3A] {strides = array<i32>} : memref<1616xi32, #tpu.memory_space<vmem>>, vector<16xi32>,
    tpu.vector_store_idx %arg5[%add3A_15, %get3A_16], %broadcast_in_dim3A_12 : memref<50x1000xf32, #tpu.memory_space<vmem>>[vector<16xi32>, vector<16xi32>], vector<16xf32>,
    %add3A_17 = arith.constant 16 : i32
    %add3A_18 = vector.broadcast %add3A_17 : i32 to vector<16xi32>
    %add3A_19 = arith.addi %iota3A, %add3A_18 : vector<16xi32>
    %get3A_20 = arith.constant 16 : index
    %get3A_21 = tpu.vector_load %arg4[%get3A_20] {strides = array<i32>} : memref<1616xi32, #tpu.memory_space<vmem>>, vector<16xi32>,
    tpu.vector_store_idx %arg5[%add3A_19, %get3A_21], %broadcast_in_dim3A_12 : memref<50x1000xf32, #tpu.memory_space<vmem>>[vector<16xi32>, vector<16xi32>], vector<16xf32>,
    %add3A_22 = arith.constant 32 : i32
    %add3A_23 = vector.broadcast %add3A_22 : i32 to vector<16xi32>
    %add3A_24 = arith.addi %iota3A, %add3A_23 : vector<16xi32>
    %get3A_25 = arith.constant 32 : index
    %get3A_26 = tpu.vector_load %arg4[%get3A_25] {strides = array<i32>} : memref<1616xi32, #tpu.memory_space<vmem>>, vector<16xi32>,
    tpu.vector_store_idx %arg5[%add3A_24, %get3A_26], %broadcast_in_dim3A_12 : memref<50x1000xf32, #tpu.memory_space<vmem>>[vector<16xi32>, vector<16xi32>], vector<16xf32>,
    %add3A_27 = arith.constant 48 : i32
    %add3A_28 = vector.broadcast %add3A_27 : i32 to vector<16xi32>
    %add3A_29 = arith.addi %iota3A, %add3A_28 : vector<16xi32>
    %get3A_30 = arith.constant 48 : index
    %get3A_31 = tpu.vector_load %arg4[%get3A_30] {strides = array<i32>} : memref<1616xi32, #tpu.memory_space<vmem>>, vector<16xi32>,
    %lt3A = arith.constant 50 : i32
    %lt3A_32 = vector.broadcast %lt3A : i32 to vector<16xi32>
    %lt3A_33 = arith.cmpi slt, %add3A_29, %lt3A_32 : vector<16xi32>
    tpu.vector_store_idx %arg5[%add3A_29, %get3A_31], %broadcast_in_dim3A_12 masked %lt3A_33 : memref<50x1000xf32, #tpu.memory_space<vmem>>[vector<16xi32>, vector<16xi32>], vector<16xf32>, vector<16xi1>
    %add3A_34 = arith.constant 0 : i32
    %add3A_35 = arith.addi %mul3A_2, %add3A_34 : i32
    %dma_start3A = arith.constant 0 : i32
    %dma_start3A_36 = arith.constant 0 : i32
    %dma_start3A_37 = tpu.memref_slice %arg3[%add3A_35, %dma_start3A, %dma_start3A_36] : memref<1024x50x1000xf32, #tpu.memory_space<hbm>> -> memref<1x50x1000xf32, #tpu.memory_space<hbm>>
    %dma_start3A_38 = tpu.memref_squeeze %dma_start3A_37 : memref<1x50x1000xf32, #tpu.memory_space<hbm>> -> memref<50x1000xf32, #tpu.memory_space<hbm>>
    %dma_start3A_39 = arith.constant 0 : i32
    %dma_start3A_40 = arith.constant 0 : i32
    %dma_start3A_41 = tpu.memref_slice %arg3[%add3A_35, %dma_start3A_39, %dma_start3A_40] : memref<1024x50x1000xf32, #tpu.memory_space<hbm>> -> memref<1x50x1000xf32, #tpu.memory_space<hbm>>
    %dma_start3A_42 = tpu.memref_squeeze %dma_start3A_41 : memref<1x50x1000xf32, #tpu.memory_space<hbm>> -> memref<50x1000xf32, #tpu.memory_space<hbm>>
    tpu.enqueue_dma source(%arg5 : memref<50x1000xf32, #tpu.memory_space<vmem>>) target(%dma_start3A_42 : memref<50x1000xf32, #tpu.memory_space<hbm>>) target_semaphore(%arg7 : memref<!tpu.dma_semaphore, #tpu.memory_space<semaphore_mem>>)
    %iota3A_43 = tpu.iota {dimensions = array<i32: 0>} : vector<16xi32>
    %broadcast_in_dim3A_44 = arith.constant 1.000000e+00 : f32
    %broadcast_in_dim3A_45 = vector.broadcast %broadcast_in_dim3A_44 : f32 to vector<16xf32>
    %add3A_46 = arith.constant 0 : i32
    %add3A_47 = vector.broadcast %add3A_46 : i32 to vector<16xi32>
    %add3A_48 = arith.addi %iota3A_43, %add3A_47 : vector<16xi32>
    %get3A_49 = arith.constant 50 : index
    %get3A_50 = tpu.vector_load %arg4[%get3A_49] {strides = array<i32>} : memref<1616xi32, #tpu.memory_space<vmem>>, vector<16xi32>,
    tpu.vector_store_idx %arg6[%add3A_48, %get3A_50], %broadcast_in_dim3A_45 : memref<50x1000xf32, #tpu.memory_space<vmem>>[vector<16xi32>, vector<16xi32>], vector<16xf32>,
    %add3A_51 = arith.constant 16 : i32
    %add3A_52 = vector.broadcast %add3A_51 : i32 to vector<16xi32>
    %add3A_53 = arith.addi %iota3A_43, %add3A_52 : vector<16xi32>
    %get3A_54 = arith.constant 66 : index
    %get3A_55 = tpu.vector_load %arg4[%get3A_54] {strides = array<i32>} : memref<1616xi32, #tpu.memory_space<vmem>>, vector<16xi32>,
    tpu.vector_store_idx %arg6[%add3A_53, %get3A_55], %broadcast_in_dim3A_45 : memref<50x1000xf32, #tpu.memory_space<vmem>>[vector<16xi32>, vector<16xi32>], vector<16xf32>,
    %add3A_56 = arith.constant 32 : i32
    %add3A_57 = vector.broadcast %add3A_56 : i32 to vector<16xi32>
    %add3A_58 = arith.addi %iota3A_43, %add3A_57 : vector<16xi32>
    %get3A_59 = arith.constant 82 : index
    %get3A_60 = tpu.vector_load %arg4[%get3A_59] {strides = array<i32>} : memref<1616xi32, #tpu.memory_space<vmem>>, vector<16xi32>,
    tpu.vector_store_idx %arg6[%add3A_58, %get3A_60], %broadcast_in_dim3A_45 : memref<50x1000xf32, #tpu.memory_space<vmem>>[vector<16xi32>, vector<16xi32>], vector<16xf32>,
    %add3A_61 = arith.constant 48 : i32
    %add3A_62 = vector.broadcast %add3A_61 : i32 to vector<16xi32>
    %add3A_63 = arith.addi %iota3A_43, %add3A_62 : vector<16xi32>
    %get3A_64 = arith.constant 98 : index
    %get3A_65 = tpu.vector_load %arg4[%get3A_64] {strides = array<i32>} : memref<1616xi32, #tpu.memory_space<vmem>>, vector<16xi32>,
    %lt3A_66 = arith.constant 50 : i32
    %lt3A_67 = vector.broadcast %lt3A_66 : i32 to vector<16xi32>
    %lt3A_68 = arith.cmpi slt, %add3A_63, %lt3A_67 : vector<16xi32>
    tpu.vector_store_idx %arg6[%add3A_63, %get3A_65], %broadcast_in_dim3A_45 masked %lt3A_68 : memref<50x1000xf32, #tpu.memory_space<vmem>>[vector<16xi32>, vector<16xi32>], vector<16xf32>, vector<16xi1>
    %add3A_69 = arith.constant 1 : i32
    %add3A_70 = arith.addi %mul3A_2, %add3A_69 : i32
    %dma_start3A_71 = arith.constant 0 : i32
    %dma_start3A_72 = arith.constant 0 : i32
    %dma_start3A_73 = tpu.memref_slice %arg3[%add3A_70, %dma_start3A_71, %dma_start3A_72] : memref<1024x50x1000xf32, #tpu.memory_space<hbm>> -> memref<1x50x1000xf32, #tpu.memory_space<hbm>>
    %dma_start3A_74 = tpu.memref_squeeze %dma_start3A_73 : memref<1x50x1000xf32, #tpu.memory_space<hbm>> -> memref<50x1000xf32, #tpu.memory_space<hbm>>
    %dma_start3A_75 = arith.constant 0 : i32
    %dma_start3A_76 = arith.constant 0 : i32
    %dma_start3A_77 = tpu.memref_slice %arg3[%add3A_70, %dma_start3A_75, %dma_start3A_76] : memref<1024x50x1000xf32, #tpu.memory_space<hbm>> -> memref<1x50x1000xf32, #tpu.memory_space<hbm>>
    %dma_start3A_78 = tpu.memref_squeeze %dma_start3A_77 : memref<1x50x1000xf32, #tpu.memory_space<hbm>> -> memref<50x1000xf32, #tpu.memory_space<hbm>>
    tpu.enqueue_dma source(%arg6 : memref<50x1000xf32, #tpu.memory_space<vmem>>) target(%dma_start3A_78 : memref<50x1000xf32, #tpu.memory_space<hbm>>) target_semaphore(%arg8 : memref<!tpu.dma_semaphore, #tpu.memory_space<semaphore_mem>>)
    %scan3A_79 = arith.constant 0 : i32
    %scan3A_80 = arith.constant 1 : i32
    %scan3A_81 = arith.constant 15 : i32
    %scan3A_82 = arith.addi %scan3A_80, %scan3A_81 : i32
    %scan3A_83 = arith.constant 1 : i32
    scf.for %scan3A_100 = %scan3A_80 to %scan3A_82 step %scan3A_83  : i32 {
      %mul3A_101 = arith.constant 2 : i32
      %mul3A_102 = arith.muli %scan3A_100, %mul3A_101 : i32
      %add3A_103 = arith.constant 0 : i32
      %add3A_104 = arith.addi %mul3A_102, %add3A_103 : i32
      %dma_wait3A_105 = arith.constant 0 : i32
      %dma_wait3A_106 = arith.constant 0 : i32
      %dma_wait3A_107 = tpu.memref_slice %arg3[%mul3A_2, %dma_wait3A_105, %dma_wait3A_106] : memref<1024x50x1000xf32, #tpu.memory_space<hbm>> -> memref<1x50x1000xf32, #tpu.memory_space<hbm>>
      %dma_wait3A_108 = tpu.memref_squeeze %dma_wait3A_107 : memref<1x50x1000xf32, #tpu.memory_space<hbm>> -> memref<50x1000xf32, #tpu.memory_space<hbm>>
      %dma_wait3A_109 = arith.constant 0 : i32
      %dma_wait3A_110 = arith.constant 0 : i32
      %dma_wait3A_111 = tpu.memref_slice %arg3[%mul3A_2, %dma_wait3A_109, %dma_wait3A_110] : memref<1024x50x1000xf32, #tpu.memory_space<hbm>> -> memref<1x50x1000xf32, #tpu.memory_space<hbm>>
      %dma_wait3A_112 = tpu.memref_squeeze %dma_wait3A_111 : memref<1x50x1000xf32, #tpu.memory_space<hbm>> -> memref<50x1000xf32, #tpu.memory_space<hbm>>
      tpu.wait_dma2 semaphore(%arg7 : memref<!tpu.dma_semaphore, #tpu.memory_space<semaphore_mem>>) src(%arg5 : memref<50x1000xf32, #tpu.memory_space<vmem>>) dst(%dma_wait3A_112 : memref<50x1000xf32, #tpu.memory_space<hbm>>)
      %sub3A = arith.constant 2 : i32
      %sub3A_113 = arith.subi %add3A_104, %sub3A : i32
      %iota3A_114 = tpu.iota {dimensions = array<i32: 0>} : vector<16xi32>
      %broadcast_in_dim3A_115 = arith.constant 0.000000e+00 : f32
      %broadcast_in_dim3A_116 = vector.broadcast %broadcast_in_dim3A_115 : f32 to vector<16xf32>
      %add3A_117 = arith.constant 0 : i32
      %add3A_118 = vector.broadcast %add3A_117 : i32 to vector<16xi32>
      %add3A_119 = arith.addi %iota3A_114, %add3A_118 : vector<16xi32>
      %mul3A_120 = arith.constant 50 : i32
      %mul3A_121 = arith.muli %sub3A_113, %mul3A_120 : i32
      %add3A_122 = arith.constant 0 : i32
      %add3A_123 = arith.addi %mul3A_121, %add3A_122 : i32
      %get3A_124 = arith.index_cast %add3A_123 : i32 to index
      %get3A_125 = tpu.vector_load %arg4[%get3A_124] {strides = array<i32>} : memref<1616xi32, #tpu.memory_space<vmem>>, vector<16xi32>,
      tpu.vector_store_idx %arg5[%add3A_119, %get3A_125], %broadcast_in_dim3A_116 : memref<50x1000xf32, #tpu.memory_space<vmem>>[vector<16xi32>, vector<16xi32>], vector<16xf32>,
      %add3A_126 = arith.constant 16 : i32
      %add3A_127 = vector.broadcast %add3A_126 : i32 to vector<16xi32>
      %add3A_128 = arith.addi %iota3A_114, %add3A_127 : vector<16xi32>
      %mul3A_129 = arith.constant 50 : i32
      %mul3A_130 = arith.muli %sub3A_113, %mul3A_129 : i32
      %add3A_131 = arith.constant 16 : i32
      %add3A_132 = arith.addi %mul3A_130, %add3A_131 : i32
      %get3A_133 = arith.index_cast %add3A_132 : i32 to index
      %get3A_134 = tpu.vector_load %arg4[%get3A_133] {strides = array<i32>} : memref<1616xi32, #tpu.memory_space<vmem>>, vector<16xi32>,
      tpu.vector_store_idx %arg5[%add3A_128, %get3A_134], %broadcast_in_dim3A_116 : memref<50x1000xf32, #tpu.memory_space<vmem>>[vector<16xi32>, vector<16xi32>], vector<16xf32>,
      %add3A_135 = arith.constant 32 : i32
      %add3A_136 = vector.broadcast %add3A_135 : i32 to vector<16xi32>
      %add3A_137 = arith.addi %iota3A_114, %add3A_136 : vector<16xi32>
      %mul3A_138 = arith.constant 50 : i32
      %mul3A_139 = arith.muli %sub3A_113, %mul3A_138 : i32
      %add3A_140 = arith.constant 32 : i32
      %add3A_141 = arith.addi %mul3A_139, %add3A_140 : i32
      %get3A_142 = arith.index_cast %add3A_141 : i32 to index
      %get3A_143 = tpu.vector_load %arg4[%get3A_142] {strides = array<i32>} : memref<1616xi32, #tpu.memory_space<vmem>>, vector<16xi32>,
      tpu.vector_store_idx %arg5[%add3A_137, %get3A_143], %broadcast_in_dim3A_116 : memref<50x1000xf32, #tpu.memory_space<vmem>>[vector<16xi32>, vector<16xi32>], vector<16xf32>,
      %add3A_144 = arith.constant 48 : i32
      %add3A_145 = vector.broadcast %add3A_144 : i32 to vector<16xi32>
      %add3A_146 = arith.addi %iota3A_114, %add3A_145 : vector<16xi32>
      %mul3A_147 = arith.constant 50 : i32
      %mul3A_148 = arith.muli %sub3A_113, %mul3A_147 : i32
      %add3A_149 = arith.constant 48 : i32
      %add3A_150 = arith.addi %mul3A_148, %add3A_149 : i32
      %get3A_151 = arith.index_cast %add3A_150 : i32 to index
      %get3A_152 = tpu.vector_load %arg4[%get3A_151] {strides = array<i32>} : memref<1616xi32, #tpu.memory_space<vmem>>, vector<16xi32>,
      %lt3A_153 = arith.constant 50 : i32
      %lt3A_154 = vector.broadcast %lt3A_153 : i32 to vector<16xi32>
      %lt3A_155 = arith.cmpi slt, %add3A_146, %lt3A_154 : vector<16xi32>
      tpu.vector_store_idx %arg5[%add3A_146, %get3A_152], %broadcast_in_dim3A_116 masked %lt3A_155 : memref<50x1000xf32, #tpu.memory_space<vmem>>[vector<16xi32>, vector<16xi32>], vector<16xf32>, vector<16xi1>
      %iota3A_156 = tpu.iota {dimensions = array<i32: 0>} : vector<16xi32>
      %broadcast_in_dim3A_157 = arith.constant 1.000000e+00 : f32
      %broadcast_in_dim3A_158 = vector.broadcast %broadcast_in_dim3A_157 : f32 to vector<16xf32>
      %add3A_159 = arith.constant 0 : i32
      %add3A_160 = vector.broadcast %add3A_159 : i32 to vector<16xi32>
      %add3A_161 = arith.addi %iota3A_156, %add3A_160 : vector<16xi32>
      %mul3A_162 = arith.constant 50 : i32
      %mul3A_163 = arith.muli %add3A_104, %mul3A_162 : i32
      %add3A_164 = arith.constant 0 : i32
      %add3A_165 = arith.addi %mul3A_163, %add3A_164 : i32
      %get3A_166 = arith.index_cast %add3A_165 : i32 to index
      %get3A_167 = tpu.vector_load %arg4[%get3A_166] {strides = array<i32>} : memref<1616xi32, #tpu.memory_space<vmem>>, vector<16xi32>,
      tpu.vector_store_idx %arg5[%add3A_161, %get3A_167], %broadcast_in_dim3A_158 : memref<50x1000xf32, #tpu.memory_space<vmem>>[vector<16xi32>, vector<16xi32>], vector<16xf32>,
      %add3A_168 = arith.constant 16 : i32
      %add3A_169 = vector.broadcast %add3A_168 : i32 to vector<16xi32>
      %add3A_170 = arith.addi %iota3A_156, %add3A_169 : vector<16xi32>
      %mul3A_171 = arith.constant 50 : i32
      %mul3A_172 = arith.muli %add3A_104, %mul3A_171 : i32
      %add3A_173 = arith.constant 16 : i32
      %add3A_174 = arith.addi %mul3A_172, %add3A_173 : i32
      %get3A_175 = arith.index_cast %add3A_174 : i32 to index
      %get3A_176 = tpu.vector_load %arg4[%get3A_175] {strides = array<i32>} : memref<1616xi32, #tpu.memory_space<vmem>>, vector<16xi32>,
      tpu.vector_store_idx %arg5[%add3A_170, %get3A_176], %broadcast_in_dim3A_158 : memref<50x1000xf32, #tpu.memory_space<vmem>>[vector<16xi32>, vector<16xi32>], vector<16xf32>,
      %add3A_177 = arith.constant 32 : i32
      %add3A_178 = vector.broadcast %add3A_177 : i32 to vector<16xi32>
      %add3A_179 = arith.addi %iota3A_156, %add3A_178 : vector<16xi32>
      %mul3A_180 = arith.constant 50 : i32
      %mul3A_181 = arith.muli %add3A_104, %mul3A_180 : i32
      %add3A_182 = arith.constant 32 : i32
      %add3A_183 = arith.addi %mul3A_181, %add3A_182 : i32
      %get3A_184 = arith.index_cast %add3A_183 : i32 to index
      %get3A_185 = tpu.vector_load %arg4[%get3A_184] {strides = array<i32>} : memref<1616xi32, #tpu.memory_space<vmem>>, vector<16xi32>,
      tpu.vector_store_idx %arg5[%add3A_179, %get3A_185], %broadcast_in_dim3A_158 : memref<50x1000xf32, #tpu.memory_space<vmem>>[vector<16xi32>, vector<16xi32>], vector<16xf32>,
      %add3A_186 = arith.constant 48 : i32
      %add3A_187 = vector.broadcast %add3A_186 : i32 to vector<16xi32>
      %add3A_188 = arith.addi %iota3A_156, %add3A_187 : vector<16xi32>
      %mul3A_189 = arith.constant 50 : i32
      %mul3A_190 = arith.muli %add3A_104, %mul3A_189 : i32
      %add3A_191 = arith.constant 48 : i32
      %add3A_192 = arith.addi %mul3A_190, %add3A_191 : i32
      %get3A_193 = arith.index_cast %add3A_192 : i32 to index
      %get3A_194 = tpu.vector_load %arg4[%get3A_193] {strides = array<i32>} : memref<1616xi32, #tpu.memory_space<vmem>>, vector<16xi32>,
      %lt3A_195 = arith.constant 50 : i32
      %lt3A_196 = vector.broadcast %lt3A_195 : i32 to vector<16xi32>
      %lt3A_197 = arith.cmpi slt, %add3A_188, %lt3A_196 : vector<16xi32>
      tpu.vector_store_idx %arg5[%add3A_188, %get3A_194], %broadcast_in_dim3A_158 masked %lt3A_197 : memref<50x1000xf32, #tpu.memory_space<vmem>>[vector<16xi32>, vector<16xi32>], vector<16xf32>, vector<16xi1>
      %add3A_198 = arith.addi %mul3A_2, %add3A_104 : i32
      %dma_start3A_199 = arith.constant 0 : i32
      %dma_start3A_200 = arith.constant 0 : i32
      %dma_start3A_201 = tpu.memref_slice %arg3[%add3A_198, %dma_start3A_199, %dma_start3A_200] : memref<1024x50x1000xf32, #tpu.memory_space<hbm>> -> memref<1x50x1000xf32, #tpu.memory_space<hbm>>
      %dma_start3A_202 = tpu.memref_squeeze %dma_start3A_201 : memref<1x50x1000xf32, #tpu.memory_space<hbm>> -> memref<50x1000xf32, #tpu.memory_space<hbm>>
      %dma_start3A_203 = arith.constant 0 : i32
      %dma_start3A_204 = arith.constant 0 : i32
      %dma_start3A_205 = tpu.memref_slice %arg3[%add3A_198, %dma_start3A_203, %dma_start3A_204] : memref<1024x50x1000xf32, #tpu.memory_space<hbm>> -> memref<1x50x1000xf32, #tpu.memory_space<hbm>>
      %dma_start3A_206 = tpu.memref_squeeze %dma_start3A_205 : memref<1x50x1000xf32, #tpu.memory_space<hbm>> -> memref<50x1000xf32, #tpu.memory_space<hbm>>
      tpu.enqueue_dma source(%arg5 : memref<50x1000xf32, #tpu.memory_space<vmem>>) target(%dma_start3A_206 : memref<50x1000xf32, #tpu.memory_space<hbm>>) target_semaphore(%arg7 : memref<!tpu.dma_semaphore, #tpu.memory_space<semaphore_mem>>)
      %mul3A_207 = arith.constant 2 : i32
      %mul3A_208 = arith.muli %scan3A_100, %mul3A_207 : i32
      %add3A_209 = arith.constant 1 : i32
      %add3A_210 = arith.addi %mul3A_208, %add3A_209 : i32
      %dma_wait3A_211 = arith.constant 0 : i32
      %dma_wait3A_212 = arith.constant 0 : i32
      %dma_wait3A_213 = tpu.memref_slice %arg3[%mul3A_2, %dma_wait3A_211, %dma_wait3A_212] : memref<1024x50x1000xf32, #tpu.memory_space<hbm>> -> memref<1x50x1000xf32, #tpu.memory_space<hbm>>
      %dma_wait3A_214 = tpu.memref_squeeze %dma_wait3A_213 : memref<1x50x1000xf32, #tpu.memory_space<hbm>> -> memref<50x1000xf32, #tpu.memory_space<hbm>>
      %dma_wait3A_215 = arith.constant 0 : i32
      %dma_wait3A_216 = arith.constant 0 : i32
      %dma_wait3A_217 = tpu.memref_slice %arg3[%mul3A_2, %dma_wait3A_215, %dma_wait3A_216] : memref<1024x50x1000xf32, #tpu.memory_space<hbm>> -> memref<1x50x1000xf32, #tpu.memory_space<hbm>>
      %dma_wait3A_218 = tpu.memref_squeeze %dma_wait3A_217 : memref<1x50x1000xf32, #tpu.memory_space<hbm>> -> memref<50x1000xf32, #tpu.memory_space<hbm>>
      tpu.wait_dma2 semaphore(%arg8 : memref<!tpu.dma_semaphore, #tpu.memory_space<semaphore_mem>>) src(%arg6 : memref<50x1000xf32, #tpu.memory_space<vmem>>) dst(%dma_wait3A_218 : memref<50x1000xf32, #tpu.memory_space<hbm>>)
      %sub3A_219 = arith.constant 2 : i32
      %sub3A_220 = arith.subi %add3A_210, %sub3A_219 : i32
      %iota3A_221 = tpu.iota {dimensions = array<i32: 0>} : vector<16xi32>
      %broadcast_in_dim3A_222 = arith.constant 0.000000e+00 : f32
      %broadcast_in_dim3A_223 = vector.broadcast %broadcast_in_dim3A_222 : f32 to vector<16xf32>
      %add3A_224 = arith.constant 0 : i32
      %add3A_225 = vector.broadcast %add3A_224 : i32 to vector<16xi32>
      %add3A_226 = arith.addi %iota3A_221, %add3A_225 : vector<16xi32>
      %mul3A_227 = arith.constant 50 : i32
      %mul3A_228 = arith.muli %sub3A_220, %mul3A_227 : i32
      %add3A_229 = arith.constant 0 : i32
      %add3A_230 = arith.addi %mul3A_228, %add3A_229 : i32
      %get3A_231 = arith.index_cast %add3A_230 : i32 to index
      %get3A_232 = tpu.vector_load %arg4[%get3A_231] {strides = array<i32>} : memref<1616xi32, #tpu.memory_space<vmem>>, vector<16xi32>,
      tpu.vector_store_idx %arg6[%add3A_226, %get3A_232], %broadcast_in_dim3A_223 : memref<50x1000xf32, #tpu.memory_space<vmem>>[vector<16xi32>, vector<16xi32>], vector<16xf32>,
      %add3A_233 = arith.constant 16 : i32
      %add3A_234 = vector.broadcast %add3A_233 : i32 to vector<16xi32>
      %add3A_235 = arith.addi %iota3A_221, %add3A_234 : vector<16xi32>
      %mul3A_236 = arith.constant 50 : i32
      %mul3A_237 = arith.muli %sub3A_220, %mul3A_236 : i32
      %add3A_238 = arith.constant 16 : i32
      %add3A_239 = arith.addi %mul3A_237, %add3A_238 : i32
      %get3A_240 = arith.index_cast %add3A_239 : i32 to index
      %get3A_241 = tpu.vector_load %arg4[%get3A_240] {strides = array<i32>} : memref<1616xi32, #tpu.memory_space<vmem>>, vector<16xi32>,
      tpu.vector_store_idx %arg6[%add3A_235, %get3A_241], %broadcast_in_dim3A_223 : memref<50x1000xf32, #tpu.memory_space<vmem>>[vector<16xi32>, vector<16xi32>], vector<16xf32>,
      %add3A_242 = arith.constant 32 : i32
      %add3A_243 = vector.broadcast %add3A_242 : i32 to vector<16xi32>
      %add3A_244 = arith.addi %iota3A_221, %add3A_243 : vector<16xi32>
      %mul3A_245 = arith.constant 50 : i32
      %mul3A_246 = arith.muli %sub3A_220, %mul3A_245 : i32
      %add3A_247 = arith.constant 32 : i32
      %add3A_248 = arith.addi %mul3A_246, %add3A_247 : i32
      %get3A_249 = arith.index_cast %add3A_248 : i32 to index
      %get3A_250 = tpu.vector_load %arg4[%get3A_249] {strides = array<i32>} : memref<1616xi32, #tpu.memory_space<vmem>>, vector<16xi32>,
      tpu.vector_store_idx %arg6[%add3A_244, %get3A_250], %broadcast_in_dim3A_223 : memref<50x1000xf32, #tpu.memory_space<vmem>>[vector<16xi32>, vector<16xi32>], vector<16xf32>,
      %add3A_251 = arith.constant 48 : i32
      %add3A_252 = vector.broadcast %add3A_251 : i32 to vector<16xi32>
      %add3A_253 = arith.addi %iota3A_221, %add3A_252 : vector<16xi32>
      %mul3A_254 = arith.constant 50 : i32
      %mul3A_255 = arith.muli %sub3A_220, %mul3A_254 : i32
      %add3A_256 = arith.constant 48 : i32
      %add3A_257 = arith.addi %mul3A_255, %add3A_256 : i32
      %get3A_258 = arith.index_cast %add3A_257 : i32 to index
      %get3A_259 = tpu.vector_load %arg4[%get3A_258] {strides = array<i32>} : memref<1616xi32, #tpu.memory_space<vmem>>, vector<16xi32>,
      %lt3A_260 = arith.constant 50 : i32
      %lt3A_261 = vector.broadcast %lt3A_260 : i32 to vector<16xi32>
      %lt3A_262 = arith.cmpi slt, %add3A_253, %lt3A_261 : vector<16xi32>
      tpu.vector_store_idx %arg6[%add3A_253, %get3A_259], %broadcast_in_dim3A_223 masked %lt3A_262 : memref<50x1000xf32, #tpu.memory_space<vmem>>[vector<16xi32>, vector<16xi32>], vector<16xf32>, vector<16xi1>
      %iota3A_263 = tpu.iota {dimensions = array<i32: 0>} : vector<16xi32>
      %broadcast_in_dim3A_264 = arith.constant 1.000000e+00 : f32
      %broadcast_in_dim3A_265 = vector.broadcast %broadcast_in_dim3A_264 : f32 to vector<16xf32>
      %add3A_266 = arith.constant 0 : i32
      %add3A_267 = vector.broadcast %add3A_266 : i32 to vector<16xi32>
      %add3A_268 = arith.addi %iota3A_263, %add3A_267 : vector<16xi32>
      %mul3A_269 = arith.constant 50 : i32
      %mul3A_270 = arith.muli %add3A_210, %mul3A_269 : i32
      %add3A_271 = arith.constant 0 : i32
      %add3A_272 = arith.addi %mul3A_270, %add3A_271 : i32
      %get3A_273 = arith.index_cast %add3A_272 : i32 to index
      %get3A_274 = tpu.vector_load %arg4[%get3A_273] {strides = array<i32>} : memref<1616xi32, #tpu.memory_space<vmem>>, vector<16xi32>,
      tpu.vector_store_idx %arg6[%add3A_268, %get3A_274], %broadcast_in_dim3A_265 : memref<50x1000xf32, #tpu.memory_space<vmem>>[vector<16xi32>, vector<16xi32>], vector<16xf32>,
      %add3A_275 = arith.constant 16 : i32
      %add3A_276 = vector.broadcast %add3A_275 : i32 to vector<16xi32>
      %add3A_277 = arith.addi %iota3A_263, %add3A_276 : vector<16xi32>
      %mul3A_278 = arith.constant 50 : i32
      %mul3A_279 = arith.muli %add3A_210, %mul3A_278 : i32
      %add3A_280 = arith.constant 16 : i32
      %add3A_281 = arith.addi %mul3A_279, %add3A_280 : i32
      %get3A_282 = arith.index_cast %add3A_281 : i32 to index
      %get3A_283 = tpu.vector_load %arg4[%get3A_282] {strides = array<i32>} : memref<1616xi32, #tpu.memory_space<vmem>>, vector<16xi32>,
      tpu.vector_store_idx %arg6[%add3A_277, %get3A_283], %broadcast_in_dim3A_265 : memref<50x1000xf32, #tpu.memory_space<vmem>>[vector<16xi32>, vector<16xi32>], vector<16xf32>,
      %add3A_284 = arith.constant 32 : i32
      %add3A_285 = vector.broadcast %add3A_284 : i32 to vector<16xi32>
      %add3A_286 = arith.addi %iota3A_263, %add3A_285 : vector<16xi32>
      %mul3A_287 = arith.constant 50 : i32
      %mul3A_288 = arith.muli %add3A_210, %mul3A_287 : i32
      %add3A_289 = arith.constant 32 : i32
      %add3A_290 = arith.addi %mul3A_288, %add3A_289 : i32
      %get3A_291 = arith.index_cast %add3A_290 : i32 to index
      %get3A_292 = tpu.vector_load %arg4[%get3A_291] {strides = array<i32>} : memref<1616xi32, #tpu.memory_space<vmem>>, vector<16xi32>,
      tpu.vector_store_idx %arg6[%add3A_286, %get3A_292], %broadcast_in_dim3A_265 : memref<50x1000xf32, #tpu.memory_space<vmem>>[vector<16xi32>, vector<16xi32>], vector<16xf32>,
      %add3A_293 = arith.constant 48 : i32
      %add3A_294 = vector.broadcast %add3A_293 : i32 to vector<16xi32>
      %add3A_295 = arith.addi %iota3A_263, %add3A_294 : vector<16xi32>
      %mul3A_296 = arith.constant 50 : i32
      %mul3A_297 = arith.muli %add3A_210, %mul3A_296 : i32
      %add3A_298 = arith.constant 48 : i32
      %add3A_299 = arith.addi %mul3A_297, %add3A_298 : i32
      %get3A_300 = arith.index_cast %add3A_299 : i32 to index
      %get3A_301 = tpu.vector_load %arg4[%get3A_300] {strides = array<i32>} : memref<1616xi32, #tpu.memory_space<vmem>>, vector<16xi32>,
      %lt3A_302 = arith.constant 50 : i32
      %lt3A_303 = vector.broadcast %lt3A_302 : i32 to vector<16xi32>
      %lt3A_304 = arith.cmpi slt, %add3A_295, %lt3A_303 : vector<16xi32>
      tpu.vector_store_idx %arg6[%add3A_295, %get3A_301], %broadcast_in_dim3A_265 masked %lt3A_304 : memref<50x1000xf32, #tpu.memory_space<vmem>>[vector<16xi32>, vector<16xi32>], vector<16xf32>, vector<16xi1>
      %add3A_305 = arith.addi %mul3A_2, %add3A_210 : i32
      %dma_start3A_306 = arith.constant 0 : i32
      %dma_start3A_307 = arith.constant 0 : i32
      %dma_start3A_308 = tpu.memref_slice %arg3[%add3A_305, %dma_start3A_306, %dma_start3A_307] : memref<1024x50x1000xf32, #tpu.memory_space<hbm>> -> memref<1x50x1000xf32, #tpu.memory_space<hbm>>
      %dma_start3A_309 = tpu.memref_squeeze %dma_start3A_308 : memref<1x50x1000xf32, #tpu.memory_space<hbm>> -> memref<50x1000xf32, #tpu.memory_space<hbm>>
      %dma_start3A_310 = arith.constant 0 : i32
      %dma_start3A_311 = arith.constant 0 : i32
      %dma_start3A_312 = tpu.memref_slice %arg3[%add3A_305, %dma_start3A_310, %dma_start3A_311] : memref<1024x50x1000xf32, #tpu.memory_space<hbm>> -> memref<1x50x1000xf32, #tpu.memory_space<hbm>>
      %dma_start3A_313 = tpu.memref_squeeze %dma_start3A_312 : memref<1x50x1000xf32, #tpu.memory_space<hbm>> -> memref<50x1000xf32, #tpu.memory_space<hbm>>
      tpu.enqueue_dma source(%arg6 : memref<50x1000xf32, #tpu.memory_space<vmem>>) target(%dma_start3A_313 : memref<50x1000xf32, #tpu.memory_space<hbm>>) target_semaphore(%arg8 : memref<!tpu.dma_semaphore, #tpu.memory_space<semaphore_mem>>)
    }
    %scan3A_84 = arith.constant 15 : i32
    %dma_wait3A = arith.constant 0 : i32
    %dma_wait3A_85 = arith.constant 0 : i32
    %dma_wait3A_86 = tpu.memref_slice %arg3[%mul3A_2, %dma_wait3A, %dma_wait3A_85] : memref<1024x50x1000xf32, #tpu.memory_space<hbm>> -> memref<1x50x1000xf32, #tpu.memory_space<hbm>>
    %dma_wait3A_87 = tpu.memref_squeeze %dma_wait3A_86 : memref<1x50x1000xf32, #tpu.memory_space<hbm>> -> memref<50x1000xf32, #tpu.memory_space<hbm>>
    %dma_wait3A_88 = arith.constant 0 : i32
    %dma_wait3A_89 = arith.constant 0 : i32
    %dma_wait3A_90 = tpu.memref_slice %arg3[%mul3A_2, %dma_wait3A_88, %dma_wait3A_89] : memref<1024x50x1000xf32, #tpu.memory_space<hbm>> -> memref<1x50x1000xf32, #tpu.memory_space<hbm>>
    %dma_wait3A_91 = tpu.memref_squeeze %dma_wait3A_90 : memref<1x50x1000xf32, #tpu.memory_space<hbm>> -> memref<50x1000xf32, #tpu.memory_space<hbm>>
    tpu.wait_dma2 semaphore(%arg7 : memref<!tpu.dma_semaphore, #tpu.memory_space<semaphore_mem>>) src(%arg5 : memref<50x1000xf32, #tpu.memory_space<vmem>>) dst(%dma_wait3A_91 : memref<50x1000xf32, #tpu.memory_space<hbm>>)
    %dma_wait3A_92 = arith.constant 0 : i32
    %dma_wait3A_93 = arith.constant 0 : i32
    %dma_wait3A_94 = tpu.memref_slice %arg3[%mul3A_2, %dma_wait3A_92, %dma_wait3A_93] : memref<1024x50x1000xf32, #tpu.memory_space<hbm>> -> memref<1x50x1000xf32, #tpu.memory_space<hbm>>
    %dma_wait3A_95 = tpu.memref_squeeze %dma_wait3A_94 : memref<1x50x1000xf32, #tpu.memory_space<hbm>> -> memref<50x1000xf32, #tpu.memory_space<hbm>>
    %dma_wait3A_96 = arith.constant 0 : i32
    %dma_wait3A_97 = arith.constant 0 : i32
    %dma_wait3A_98 = tpu.memref_slice %arg3[%mul3A_2, %dma_wait3A_96, %dma_wait3A_97] : memref<1024x50x1000xf32, #tpu.memory_space<hbm>> -> memref<1x50x1000xf32, #tpu.memory_space<hbm>>
    %dma_wait3A_99 = tpu.memref_squeeze %dma_wait3A_98 : memref<1x50x1000xf32, #tpu.memory_space<hbm>> -> memref<50x1000xf32, #tpu.memory_space<hbm>>
    tpu.wait_dma2 semaphore(%arg8 : memref<!tpu.dma_semaphore, #tpu.memory_space<semaphore_mem>>) src(%arg6 : memref<50x1000xf32, #tpu.memory_space<vmem>>) dst(%dma_wait3A_99 : memref<50x1000xf32, #tpu.memory_space<hbm>>)
    return
  }
}

</mosaic_0001>

<sc_bundles>
// kernel: kernel.3.cloned.1.call-start
scs
__scs_entry_jumppad:
0x0: {  	(pc) =	sbr.rel $0x88, $3  }
0x1: {  	(tag) =	ssettag $0x0;
	lr =	simm.s32 $0x1  }
0x2: {  	[smem:$0x3FA0] =	sst lr;
	_ =	strace $0xD0000000  }
0x3: {  	_ = 	snop  }
0x4: {  	_ = 	snop  }
0x5: {  	_ = 	snop  }
0x6: {  	_ = 	snop  }
0x7: {  	_ = 	snop  }
__scs_overlays_trampoline_lowered:
0x8: {  	[smem:$0x3FAF] =	sst s0  }
0x9: {  	[smem:$0x3FB0] =	sst s1  }
0xa: {  	[smem:$0x3FB1] =	sst s2  }
0xb: {  	[smem:$0x3FB2] =	sst s3  }
0xc: {  	[smem:$0x3FB3] =	sst s4  }
0xd: {  	[smem:$0x3FB4] =	sst s5  }
0xe: {  	[smem:$0x3FB5] =	sst s6  }
0xf: {  	[smem:$0x3FB6] =	sst s7  }
0x10: {  	[smem:$0x3FB7] =	sst s8  }
0x11: {  	[smem:$0x3FB8] =	sst s9;
	s0 =	simm.s32 @!p0 $0x0  }
0x12: {  	s1 =	sld [smem:$0x3F9E];
	s0 =	simm.s32 @p0 $0x1  }
0x13: {  	[smem:$0x3FB9] =	sst s0;
	s0 =	simm.s32 @!p1 $0x0  }
0x14: {  	s2 =	sld [smem:$0x3F9D];
	s0 =	simm.s32 @p1 $0x1  }
0x15: {  	[smem:$0x3FBA] =	sst s0;
	s0 =	simm.s32 @!p2 $0x0  }
0x16: {  	s3 =	sld [smem:$0x3FDB];
	s0 =	simm.s32 @p2 $0x1  }
0x17: {  	s4 =	simm.s32 $0x1BF5;
	[smem:$0x3FBC] =	sst s0  }
0x18: {  	s0 =	sld [smem:$0x3F9F];
	_ =	swait.ge [sflag:s4], $0x0  }
0x19: {  	s7 =	sld [smem:$0x3FA0]  }
0x1a: {  	s8 =	sadd.s32 $0xFFFFE003, lr  }
0x1b: {  	s9 =	sadd.s32 $0xFFFFFEF7, lr;
	s5 =	simm.s32 $0xFFFFFFFF;
	p2 =	slt.u32 s8, $0xFFFFF086  }
0x1c: {  	p1 =	slt.u32 s9, $0xF7A;
	s5 =	simm.s32 @!p2 $0x0  }
0x1d: {  	s5 =	simm.s32 @p1 $0x1;
	p0 =	seq.s32 s7, s2  }
0x1e: {  	s7 =	smul.u32 @!p0 $0xF7A, s2;
	p2 =	seq.s32 @!p0 s5, $0x0  }
0x1f: {  	s9 =	smul.u32 $0xF7A, s1;
	s8 =	simm.s32 @!p0 $0x1BF5;
	p2 =	por !p2, p0  }
0x20: {  	[sflag:s8] =	ssyncset.s32 @!p0 $0xFFFFF086;
	s6 =	sadd.s32 @!p0 s3, s7;
	s7 =	simm.s32 @!p0 $0x108  }
0x21: {  	s3 =	sadd.s32 s3, s9;
	s6 =	sadd.s32 @!p0 $0x88, s6;
	s7 =	simm.s32 @p2 $0x1082  }
0x22: {  	[simem:s7], [sflag:s8] =	dma.local @!p0 [hbm:s6], $0xF7A  }
0x23: {  	s9 =	sor.u32 $0xD0000000, s2;
	s6 =	simm.s32 $0x108;
	_ =	swait.ge @!p0 [sflag:s8], $0x0  }
0x24: {  	s3 =	sadd.s32 $0x88, s3;
	s6 =	simm.s32 @!p1 $0x1082;
	[sflag:s4] =	ssyncset.s32 $0xFFFFF086  }
0x25: {  	[simem:s6], [sflag:s4] =	dma.local [hbm:s3], $0xF7A  }
0x26: {  	[smem:$0x3FA0] =	sst s1;
	(tag) =	ssettag s2;
	_ =	strace s9  }
0x27: {  	s1 =	sld [smem:$0x3FB0]  }
0x28: {  	s2 =	sld [smem:$0x3FB1]  }
0x29: {  	s4 =	sld [smem:$0x3FB3]  }
0x2a: {  	p0 =	seq.s32 s5, $0x0;
	s5 =	sld [smem:$0x3FB4]  }
0x2b: {  	s6 =	sld [smem:$0x3FB5]  }
0x2c: {  	s7 =	sld [smem:$0x3FB6]  }
0x2d: {  	s3 =	simm.s32 $0x108;
	s8 =	sld [smem:$0x3FB7]  }
0x2e: {  	s3 =	simm.s32 @!p0 $0x1082;
	s9 =	sld [smem:$0x3FB8]  }
0x2f: {  	lr =	sadd.s32 s0, s3;
	s0 =	sld [smem:$0x3FAF]  }
0x30: {  	s3 =	sld [smem:$0x3FB2]  }
0x31: {  	[smem:$0x3FBB] =	sst s10  }
0x32: {  	s10 =	sld [smem:$0x3FB9];
	_ =	sdelay $0x3  }
0x33: {  	p0 =	seq.s32 s10, $0x1;
	s10 =	sld [smem:$0x3FBB];
	_ =	sdelay $0x3  }
0x34: {  	[smem:$0x3FBB] =	sst s10  }
0x35: {  	s10 =	sld [smem:$0x3FBA];
	_ =	sdelay $0x3  }
0x36: {  	p1 =	seq.s32 s10, $0x1;
	s10 =	sld [smem:$0x3FBB];
	_ =	sdelay $0x3  }
0x37: {  	[smem:$0x3FBB] =	sst s10  }
0x38: {  	s10 =	sld [smem:$0x3FBC]  }
0x39: {  	_ = 	snop;
	(pc) =	sbr.ind lr, $3  }
0x3a: {  	_ = 	snop  }
0x3b: {  	_ = 	snop  }
0x3c: {  	p2 =	seq.s32 s10, $0x1;
	s10 =	sld [smem:$0x3FBB]  }
0x3d: {  	_ =	shalt  }
0x3e: {  	_ =	shalt  }
0x3f: {  	_ =	shalt  }
0x40: {  	_ =	shalt  }
0x41: {  	_ =	shalt  }
0x42: {  	_ =	shalt  }
0x43: {  	_ =	shalt  }
0x44: {  	_ =	shalt  }
0x45: {  	_ =	shalt  }
0x46: {  	_ =	shalt  }
0x47: {  	_ =	shalt  }
0x48: {  	_ =	shalt  }
0x49: {  	_ =	shalt  }
0x4a: {  	_ =	shalt  }
0x4b: {  	_ =	shalt  }
0x4c: {  	_ =	shalt  }
0x4d: {  	_ =	shalt  }
0x4e: {  	_ =	shalt  }
0x4f: {  	_ =	shalt  }
0x50: {  	_ =	shalt  }
0x51: {  	_ =	shalt  }
0x52: {  	_ =	shalt  }
0x53: {  	_ =	shalt  }
0x54: {  	_ =	shalt  }
0x55: {  	_ =	shalt  }
0x56: {  	_ =	shalt  }
0x57: {  	_ =	shalt  }
0x58: {  	_ =	shalt  }
0x59: {  	_ =	shalt  }
0x5a: {  	_ =	shalt  }
0x5b: {  	_ =	shalt  }
0x5c: {  	_ =	shalt  }
0x5d: {  	_ =	shalt  }
0x5e: {  	_ =	shalt  }
0x5f: {  	_ =	shalt  }
0x60: {  	_ =	shalt  }
0x61: {  	_ =	shalt  }
0x62: {  	_ =	shalt  }
0x63: {  	_ =	shalt  }
0x64: {  	_ =	shalt  }
0x65: {  	_ =	shalt  }
0x66: {  	_ =	shalt  }
0x67: {  	_ =	shalt  }
0x68: {  	_ =	shalt  }
0x69: {  	_ =	shalt  }
0x6a: {  	_ =	shalt  }
0x6b: {  	_ =	shalt  }
0x6c: {  	_ =	shalt  }
0x6d: {  	_ =	shalt  }
0x6e: {  	_ =	shalt  }
0x6f: {  	_ =	shalt  }
0x70: {  	_ =	shalt  }
0x71: {  	_ =	shalt  }
0x72: {  	_ =	shalt  }
0x73: {  	_ =	shalt  }
0x74: {  	_ =	shalt  }
0x75: {  	_ =	shalt  }
0x76: {  	_ =	shalt  }
0x77: {  	_ =	shalt  }
0x78: {  	_ =	shalt  }
0x79: {  	_ =	shalt  }
0x7a: {  	_ =	shalt  }
0x7b: {  	_ =	shalt  }
0x7c: {  	_ =	shalt  }
0x7d: {  	_ =	shalt  }
0x7e: {  	_ =	shalt  }
0x7f: {  	_ =	shalt  }
0x80: {  	_ =	shalt  }
0x81: {  	_ =	shalt  }
0x82: {  	_ =	shalt  }
0x83: {  	_ =	shalt  }
0x84: {  	_ =	shalt  }
0x85: {  	_ =	shalt  }
0x86: {  	_ =	shalt  }
0x87: {  	_ =	shalt  }
.Lfunc_end0:
.L_simem_size_0:
called_computation_lowered:
.L_overlay_start_0:
0x88: {  	s2 =	sld [smem:$0x3FD9]  }
0x89: {  	s3 =	sld [smem:$0x3FFE];
	_ =	sdelay $0x1  }
0x8a: {  	s1 =	srdreg.scid  }
0x8b: {  	s0 =	sand.u32 $0x1, s1  }
0x8c: {  	s17 =	sshll.u32 s0, $0xA;
	s2 =	sadd.s32 s3, s2  }
0x8d: {  	s2 =	sadd.s32 s2, s17  }
0x8e: {  	[smem:$0x3FC7] =	sst s2  }
0x8f: {  	_ = 	snop  }
0x90: {  	s2 =	sld [smem:$0x3FD0];
	(tm) =	ssettm $0x1  }
0x91: {  	s18 =	sld [smem:$0x3FFB];
	_ =	sdelay $0x3  }
0x92: {  	_ =	strace s18  }
0x93: {  	s3 =	sld [smem:$0x3FFC];
	_ =	sdelay $0x3  }
0x94: {  	_ =	strace s3  }
0x95: {  	s3 =	sld [smem:$0x3FFD];
	_ =	sdelay $0x3  }
0x96: {  	_ =	strace s3  }
0x97: {  	_ =	strace $0x8FFFFFFF  }
0x98: {  	s19 =	sld [smem:$0x3FDB];
	_ =	sdelay $0x1  }
0x99: {  	s4 =	simm.s32 $_scs_section_size  }
0x9a: {  	s5 =	simm.s32 $_size__tile_overlayer_lowered;
	s6 =	simm.s32 $_tile_overlayer_lowered  }
0x9b: {  	s22 =	simm.s32 $0x1BFF;
	s21 =	sshll.u32 s6, $0x1;
	s3 =	sadd.s32 s4, s19  }
0x9c: {  	s7 =	simm.s32 $0x0;
	s20 =	sshll.u32 s5, $0x1;
	s5 =	sadd.s32 s21, s3  }
0x9d: {  	[timem:s7], [sflag:s22] =	dma.local [hbm:s5], s20  }
0x9e: {  	_ =	swait.ge [sflag:s22], s20  }
0x9f: {  	s4 =	ssub.s32 $0x0, s20;
	[sflag:s22] =	ssyncset.done $0x0  }
0xa0: {  	[sflag:s22] =	ssyncadd.s32 s4;
	_ =	sdelay $0x1  }
0xa1: {  	s23 =	simm.s32 $0x1B8B  }
0xa2: {  	_ =	swait.ge [sflag:s23], $0x1  }
0xa3: {  	[sflag:s23] =	ssyncset.done $0x0  }
0xa4: {  	s25 =	simm.s32 $0x1B8E;
	s24 =	sld [smem:$0x3FFE];
	[sflag:s23] =	ssyncadd.s32 $0xFFFFFFFF  }
0xa5: {  	s26 =	simm.s32 $execute0_lowered;
	[smem:$0x3FD2] =	sst s25  }
0xa6: {  	s5 =	sshll.u32 s26, $0x1;
	_ =	strace $0x80000046;
	[dreg:$0x1] =	wrdreg $0xFFFFFFFF  }
0xa7: {  	s28 =	simm.s32 $_size_execute0_lowered;
	s3 =	sadd.s32 s3, s5;
	[dreg:$0x0] =	wrdreg $0x0  }
0xa8: {  	s5 =	sshll.u32 s28, $0x1;
	[dreg:$0x2] =	wrdreg s3  }
0xa9: {  	[dreg:$0x3] =	wrdreg s5  }
0xaa: {  	[dreg:$0x4] =	wrdreg $0xC0  }
0xab: {  	_ =	task [dreg:s7], $0x5FFFF  }
0xac: {  	[dreg:$0x1] =	wrdreg $0xFFFFFFFF  }
0xad: {  	[dreg:$0x0] =	wrdreg $0x60  }
0xae: {  	[dreg:$0x2] =	wrdreg s2  }
0xaf: {  	[dreg:$0x3] =	wrdreg s24  }
0xb0: {  	[dreg:$0x4] =	wrdreg $0x9  }
0xb1: {  	_ =	task.clear_ibuf [dreg:s7], $0x5FFFF;
	_ =	strace $0x90000046  }
0xb2: {  	s29 =	simm.s32 $0x9;
	_ =	strace $0x80000048  }
0xb3: {  	_ =	swait.ge [sflag:s29], $0x1  }
0xb4: {  	[sflag:s29] =	ssyncadd.s32 $0xFFFFFFFF  }
0xb5: {  	_ =	strace $0x90000048  }
0xb6: {  	_ =	sfence  }
0xb7: {  	s30 =	sld [smem:$0x0];
	_ =	sdelay $0x2  }
0xb8: {  	s31 =	sshll.u32 s1, $0xD;
	s1 =	sshrl.u32 s1, $0x2  }
0xb9: {  	s3 =	sand.u32 $0x4000, s31;
	s1 =	sadd.s32 s1, s30  }
0xba: {  	s0 =	sor.u32 s3, s0;
	s1 =	sshll.u32 s1, $0x11  }
0xbb: {  	s0 =	sor.u32 s1, s0  }
0xbc: {  	s0 =	sadd.s32 $0x8F2B, s0  }
0xbd: {  	[sflag:s0] =	ssyncadd.remote.s32 $0x1  }
0xbe: {  	_ =	sfence.sel $0xFFFF  }
0xbf: {  	[dreg:$0x0] =	wrdreg $0xFFFFFFFF;
	(pc) =	sbr.abs _section_cstart, $3  }
0xc0: {  	[dreg:$0x1] =	wrdreg $0xFFFFFFFF  }
0xc1: {  	_ =	task.clear_ibuf [dreg:s7], $0x2FFFF;
	_ =	strace $0x9FFFFFFF  }
0xc2: {  	(tm) =	ssettm $0x7FFFFFFF  }
0xc3: {  	_ =	shalt  }
tec
execute0_lowered:
.L_overlay_start_1:
0x0: {  	(tag) =	ssettag $0x1  }
0x1: {  	v0 =	vimm.s32 $0x2380;
	vm14 =	vcmask $0x300;
	vm13 =	vcmask $0x704  }
0x2: {  	vm12 =	vcmask $0xB08;
	vm11 =	vcmask $0xF0C;
	vm10 =	vcmask $0x1310  }
0x3: {  	vm9 =	vcmask $0x1714;
	vm8 =	vcmask $0x1B18;
	vm7 =	vcmask $0x1F1C  }
0x4: {  	vm6 =	vcmask $0x2320;
	vm5 =	vcmask $0x2724;
	vm4 =	vcmask $0x2B28  }
0x5: {  	vm3 =	vcmask $0x2F2C;
	vm2 =	vcmask $0x3330;
	vm1 =	vcmask $0x3734  }
0x6: {  	vm0 =	vcmask $0x3B38;
	v2 =	vimm.f32 $1.000000000e+00;
	v3 =	vimm.s32 $0x6380  }
0x7: {  	v4 =	vimm.s32 $0xA380;
	v5 =	vimm.s32 $0xE380;
	v0 =	vsel vm14, $0x0, v0  }
0x8: {  	v3 =	vsel vm14, $0x4000, v3;
	v4 =	vsel vm14, $0x8000, v4;
	v5 =	vsel vm14, $0xC000, v5  }
0x9: {  	v0 =	vsel vm13, $0x80, v0;
	v3 =	vsel vm13, $0x4080, v3;
	v4 =	vsel vm13, $0x8080, v4  }
0xa: {  	v5 =	vsel vm13, $0xC080, v5;
	v0 =	vsel vm12, $0x100, v0;
	v3 =	vsel vm12, $0x4100, v3  }
0xb: {  	v4 =	vsel vm12, $0x8100, v4;
	v5 =	vsel vm12, $0xC100, v5;
	v0 =	vsel vm11, $0x180, v0  }
0xc: {  	v3 =	vsel vm11, $0x4180, v3;
	v4 =	vsel vm11, $0x8180, v4;
	v5 =	vsel vm11, $0xC180, v5  }
0xd: {  	v0 =	vsel vm10, $0x200, v0;
	v3 =	vsel vm10, $0x4200, v3;
	v4 =	vsel vm10, $0x8200, v4  }
0xe: {  	v5 =	vsel vm10, $0xC200, v5;
	v0 =	vsel vm9, $0x280, v0;
	v3 =	vsel vm9, $0x4280, v3  }
0xf: {  	v4 =	vsel vm9, $0x8280, v4;
	v5 =	vsel vm9, $0xC280, v5;
	v0 =	vsel vm8, $0x300, v0  }
0x10: {  	v3 =	vsel vm8, $0x4300, v3;
	v4 =	vsel vm8, $0x8300, v4;
	v5 =	vsel vm8, $0xC300, v5  }
0x11: {  	s4 =	rddreg [dreg:$0x0];
	v0 =	vsel vm7, $0x380, v0;
	v3 =	vsel vm7, $0x4380, v3;
	v4 =	vsel vm7, $0x8380, v4  }
0x12: {  	s0 =	srdreg.scid;
	s5 =	rddreg [dreg:$0x1];
	s2 =	simm.s32 $0x0;
	v5 =	vsel vm7, $0xC380, v5;
	v0 =	vsel vm6, $0x2000, v0;
	v3 =	vsel vm6, $0x6000, v3  }
0x13: {  	s11 =	simm.s32 $0x1;
	s12 =	simm.s32 $0x2;
	s13 =	simm.s32 $0x0;
	v4 =	vsel vm6, $0xA000, v4;
	v5 =	vsel vm6, $0xE000, v5;
	v0 =	vsel vm5, $0x2080, v0  }
0x14: {  	s3 =	sand.u32 $0x1, s0;
	s0 =	stileid.u32;
	[smem:$0x7FF] =	sst s2;
	v3 =	vsel vm5, $0x6080, v3;
	v4 =	vsel vm5, $0xA080, v4;
	v5 =	vsel vm5, $0xE080, v5  }
0x15: {  	s5 =	sadd.s32 $0x400, s5;
	s1 =	sshll.u32 s3, $0x4;
	s10 =	smul.u32 $0x380000, s3;
	v0 =	vsel vm4, $0x2100, v0;
	v3 =	vsel vm4, $0x6100, v3;
	v4 =	vsel vm4, $0xA100, v4  }
0x16: {  	s8 =	ssub.s32 $0x2, s3;
	s30 =	smul.u32 $0x38000, s0;
	s6 =	sor.u32 s0, s1;
	v5 =	vsel vm4, $0xE100, v5;
	v0 =	vsel vm3, $0x2180, v0;
	v3 =	vsel vm3, $0x6180, v3  }
0x17: {  	s1 =	rddreg [dreg:$0x2];
	s9 =	sshrl.u32 s8, $0x1;
	s7 =	smul.u32 $0xC8, s6;
	v4 =	vsel vm3, $0xA180, v4;
	v5 =	vsel vm3, $0xE180, v5;
	v0 =	vsel vm2, $0x2200, v0  }
0x18: {  	_ =	strace $0x80000047;
	s6 =	smul.u32 $0x38000, s6;
	s8 =	ssub.s32 s8, s9;
	v3 =	vsel vm2, $0x6200, v3;
	v4 =	vsel vm2, $0xA200, v4;
	v5 =	vsel vm2, $0xE200, v5  }
0x19: {  	s31 =	sadd.s32 s10, s5;
	s9 =	simm.s32 $0x680;
	s10 =	simm.s32 $0xE680;
	v1 =	vsel vm1, $0x2280, v0;
	v0 =	vimm.f32 $0.0e+00;
	v3 =	vsel vm1, $0x6280, v3  }
0x1a: {  	s3 =	sadd.s32 s4, s7;
	s4 =	sadd.s32 s5, s6;
	s6 =	smax.u32 s8, $0x1;
	v4 =	vsel vm1, $0xA280, v4;
	v5 =	vsel vm1, $0xE280, v5;
	v1 =	vsel vm0, $0x2300, v1  }
0x1b: {  	s7 =	sadd.s32 s30, s31;
	s8 =	simm.s32 $0x3;
	s5 =	sadd.s32 $0x1C00, s4;
	v3 =	vsel vm0, $0x6300, v3;
	v4 =	vsel vm0, $0xA300, v4;
	v5 =	vsel vm0, $0xE300, v5  }
.LBB2_1:
0x1c: {  	[tilespmem:s2], [sflag:$0x3] =	stream.linear.gather [hbm4b:s3+s2], $0x640, $0x38;
	[tilespmem:$0x1C680] =	vst v63  }
0x1d: {  	_ =	swait.ge [sflag:s8], $0x640  }
0x1e: {  	[sflag:s8] =	ssyncset.done $0x0  }
0x1f: {  	s14 =	simm.s32 $0x0;
	[sflag:s8] =	ssyncadd.s32 $0xFFFFF9C0  }
.LBB2_2:
0x20: {  	s15 =	sshll.u32 s14, $0xA;
	s16 =	sshll.u32 s14, $0x7  }
0x21: {  	s17 =	simm.s32 $0x0;
	s18 =	sand.u32 $0xE000, s15;
	s19 =	sand.u32 $0x380, s16  }
0x22: {  	s31 =	sand.u32 $0x1C00, s17;
	s18 =	sor.u32 s18, s19  }
0x23: {  	s20 =	sand.u32 $0x70, s17;
	s21 =	sor.u32 s31, s18  }
0x24: {  	s19 =	simm.s32 $0x10;
	s20 =	sor.u32 s20, s21  }
.LBB2_3:
0x25: {  	p0 =	sne.s32 s19, $0x3D0  }
0x26: {  	[tilespmem:s20+$0x680] =	vst v0;
	s17 =	sadd.s32 $0x80, s17;
	s21 =	smov.u32 s19;
	s19 =	sadd.s32 $0x10, s19  }
.Ltmp0:
0x27: {  	[tilespmem:s20+$0xE680] =	vst v0;
	(pc) =	sbr.rel @p0 .LBB2_3-.Ltmp0, $4  }
0x28: {  	_ = 	snop  }
0x29: {  	s20 =	sand.u32 $0x1C00, s17  }
0x2a: {  	s21 =	sand.u32 $0x70, s21;
	s20 =	sor.u32 s20, s18  }
0x2b: {  	s20 =	sor.u32 s21, s20  }
0x2c: {  	s14 =	sadd.s32 $0x1, s14  }
0x2d: {  	p0 =	sne.s32 s14, $0x32  }
.Ltmp1:
0x2e: {  	_ = 	snop;
	(pc) =	sbr.rel @p0 .LBB2_2-.Ltmp1, $4  }
0x2f: {  	[tilespmem:s20+$0x680] =	vst v0;
	s15 =	sor.u32 s15, s16  }
0x30: {  	[tilespmem:s20+$0xE680] =	vst v0;
	s15 =	sor.u32 $0x1C58, s15  }
0x31: {  	[tilespmem:s15+$0x680] =	vst v0  }
0x32: {  	[tilespmem:s15+$0xE680] =	vst v0  }
0x33: {  	v6 =	vld [tilespmem:$0x0];
	_ =	sdelay $0x4  }
0x34: {  	v7 =	vshll.u32 v6, $0x3  }
0x35: {  	v6 =	vand.u32 $0x7F, v6;
	v7 =	vand.u32 $0xFFFFFC00, v7  }
0x36: {  	v6 =	vor.u32 v6, v7  }
0x37: {  	v6 =	vadd.s32 v1, v6;
	_ =	sdelay $0x4  }
0x38: {  	[tilespmem:v6+s9+$0x0] =	vst.idx.msk $0xffff, v2  }
0x39: {  	v6 =	vld [tilespmem:$0x10];
	_ =	sdelay $0x4  }
0x3a: {  	v7 =	vshll.u32 v6, $0x3  }
0x3b: {  	v6 =	vand.u32 $0x7F, v6;
	v7 =	vand.u32 $0xFFFFFC00, v7  }
0x3c: {  	v6 =	vor.u32 v6, v7  }
0x3d: {  	v6 =	vadd.s32 v3, v6;
	_ =	sdelay $0x4  }
0x3e: {  	[tilespmem:v6+s9+$0x0] =	vst.idx.msk $0xffff, v2  }
0x3f: {  	v6 =	vld [tilespmem:$0x20];
	_ =	sdelay $0x4  }
0x40: {  	v7 =	vshll.u32 v6, $0x3  }
0x41: {  	v6 =	vand.u32 $0x7F, v6;
	v7 =	vand.u32 $0xFFFFFC00, v7  }
0x42: {  	v6 =	vor.u32 v6, v7  }
0x43: {  	v6 =	vadd.s32 v4, v6;
	_ =	sdelay $0x4  }
0x44: {  	[tilespmem:v6+s9+$0x0] =	vst.idx.msk $0xffff, v2  }
0x45: {  	v6 =	vld [tilespmem:$0x30];
	_ =	sdelay $0x4  }
0x46: {  	v7 =	vshll.u32 v6, $0x3  }
0x47: {  	v6 =	vand.u32 $0x7F, v6;
	v7 =	vand.u32 $0xFFFFFC00, v7  }
0x48: {  	v6 =	vor.u32 v6, v7  }
0x49: {  	v6 =	vadd.s32 v5, v6;
	_ =	sdelay $0x4  }
0x4a: {  	[tilespmem:v6+s9+$0x0] =	vst.idx.msk $0x3, v2  }
0x4b: {  	[hbm4b:s4+s2] =	stream.linear.scatter [tilespmem:s9], [sflag:$0x1], $0xE000, $0x38;
	[tilespmem:$0x1C680] =	vst v63  }
0x4c: {  	v6 =	vld [tilespmem:$0x32];
	_ =	sdelay $0x4  }
0x4d: {  	v7 =	vshll.u32 v6, $0x3  }
0x4e: {  	v6 =	vand.u32 $0x7F, v6;
	v7 =	vand.u32 $0xFFFFFC00, v7  }
0x4f: {  	v6 =	vor.u32 v6, v7  }
0x50: {  	v6 =	vadd.s32 v1, v6;
	_ =	sdelay $0x4  }
0x51: {  	[tilespmem:v6+s10+$0x0] =	vst.idx.msk $0xffff, v2  }
0x52: {  	v6 =	vld [tilespmem:$0x42];
	_ =	sdelay $0x4  }
0x53: {  	v7 =	vshll.u32 v6, $0x3  }
0x54: {  	v6 =	vand.u32 $0x7F, v6;
	v7 =	vand.u32 $0xFFFFFC00, v7  }
0x55: {  	v6 =	vor.u32 v6, v7  }
0x56: {  	v6 =	vadd.s32 v3, v6;
	_ =	sdelay $0x4  }
0x57: {  	[tilespmem:v6+s10+$0x0] =	vst.idx.msk $0xffff, v2  }
0x58: {  	v6 =	vld [tilespmem:$0x52];
	_ =	sdelay $0x4  }
0x59: {  	v7 =	vshll.u32 v6, $0x3  }
0x5a: {  	v6 =	vand.u32 $0x7F, v6;
	v7 =	vand.u32 $0xFFFFFC00, v7  }
0x5b: {  	v6 =	vor.u32 v6, v7  }
0x5c: {  	v6 =	vadd.s32 v4, v6;
	_ =	sdelay $0x4  }
0x5d: {  	[tilespmem:v6+s10+$0x0] =	vst.idx.msk $0xffff, v2  }
0x5e: {  	v6 =	vld [tilespmem:$0x62];
	_ =	sdelay $0x4  }
0x5f: {  	v7 =	vshll.u32 v6, $0x3  }
0x60: {  	v6 =	vand.u32 $0x7F, v6;
	v7 =	vand.u32 $0xFFFFFC00, v7  }
0x61: {  	v6 =	vor.u32 v6, v7  }
0x62: {  	v6 =	vadd.s32 v5, v6;
	_ =	sdelay $0x4  }
0x63: {  	s14 =	simm.s32 $0xFFFCB800;
	s15 =	simm.s32 $0x64;
	[tilespmem:v6+s10+$0x0] =	vst.idx.msk $0x3, v2  }
0x64: {  	[hbm4b:s5+s2] =	stream.linear.scatter [tilespmem:s10], [sflag:$0x2], $0xE000, $0x38;
	[tilespmem:$0x1C680] =	vst v63  }
.LBB2_6:
0x65: {  	_ =	swait.ge [sflag:s11], $0xE000  }
0x66: {  	[sflag:s11] =	ssyncset.done $0x0  }
0x67: {  	[sflag:s11] =	ssyncadd.s32 $0xFFFF2000  }
0x68: {  	v6 =	vld [tilespmem:s15+$0xFFFFFF9C];
	_ =	sdelay $0x4  }
0x69: {  	v7 =	vshll.u32 v6, $0x3  }
0x6a: {  	v6 =	vand.u32 $0x7F, v6;
	v7 =	vand.u32 $0xFFFFFC00, v7  }
0x6b: {  	v6 =	vor.u32 v6, v7  }
0x6c: {  	v6 =	vadd.s32 v1, v6;
	_ =	sdelay $0x4  }
0x6d: {  	[tilespmem:v6+s9+$0x0] =	vst.idx.msk $0xffff, v0  }
0x6e: {  	v6 =	vld [tilespmem:s15+$0xFFFFFFAC];
	_ =	sdelay $0x4  }
0x6f: {  	v7 =	vshll.u32 v6, $0x3  }
0x70: {  	v6 =	vand.u32 $0x7F, v6;
	v7 =	vand.u32 $0xFFFFFC00, v7  }
0x71: {  	v6 =	vor.u32 v6, v7  }
0x72: {  	v6 =	vadd.s32 v3, v6;
	_ =	sdelay $0x4  }
0x73: {  	[tilespmem:v6+s9+$0x0] =	vst.idx.msk $0xffff, v0  }
0x74: {  	v6 =	vld [tilespmem:s15+$0xFFFFFFBC];
	_ =	sdelay $0x4  }
0x75: {  	v7 =	vshll.u32 v6, $0x3  }
0x76: {  	v6 =	vand.u32 $0x7F, v6;
	v7 =	vand.u32 $0xFFFFFC00, v7  }
0x77: {  	v6 =	vor.u32 v6, v7  }
0x78: {  	v6 =	vadd.s32 v4, v6;
	_ =	sdelay $0x4  }
0x79: {  	[tilespmem:v6+s9+$0x0] =	vst.idx.msk $0xffff, v0  }
0x7a: {  	v6 =	vld [tilespmem:s15+$0xFFFFFFCC];
	_ =	sdelay $0x4  }
0x7b: {  	v7 =	vshll.u32 v6, $0x3  }
0x7c: {  	v6 =	vand.u32 $0x7F, v6;
	v7 =	vand.u32 $0xFFFFFC00, v7  }
0x7d: {  	v6 =	vor.u32 v6, v7  }
0x7e: {  	v6 =	vadd.s32 v5, v6;
	_ =	sdelay $0x4  }
0x7f: {  	[tilespmem:v6+s9+$0x0] =	vst.idx.msk $0x3, v0  }
0x80: {  	v6 =	vld [tilespmem:s15+$0x0];
	_ =	sdelay $0x4  }
0x81: {  	v7 =	vshll.u32 v6, $0x3  }
0x82: {  	v6 =	vand.u32 $0x7F, v6;
	v7 =	vand.u32 $0xFFFFFC00, v7  }
0x83: {  	v6 =	vor.u32 v6, v7  }
0x84: {  	v6 =	vadd.s32 v1, v6;
	_ =	sdelay $0x4  }
0x85: {  	[tilespmem:v6+s9+$0x0] =	vst.idx.msk $0xffff, v2  }
0x86: {  	v6 =	vld [tilespmem:s15+$0x10];
	_ =	sdelay $0x4  }
0x87: {  	v7 =	vshll.u32 v6, $0x3  }
0x88: {  	v6 =	vand.u32 $0x7F, v6;
	v7 =	vand.u32 $0xFFFFFC00, v7  }
0x89: {  	v6 =	vor.u32 v6, v7  }
0x8a: {  	v6 =	vadd.s32 v3, v6;
	_ =	sdelay $0x4  }
0x8b: {  	[tilespmem:v6+s9+$0x0] =	vst.idx.msk $0xffff, v2  }
0x8c: {  	v6 =	vld [tilespmem:s15+$0x20];
	_ =	sdelay $0x4  }
0x8d: {  	v7 =	vshll.u32 v6, $0x3  }
0x8e: {  	v6 =	vand.u32 $0x7F, v6;
	v7 =	vand.u32 $0xFFFFFC00, v7  }
0x8f: {  	v6 =	vor.u32 v6, v7  }
0x90: {  	v6 =	vadd.s32 v4, v6;
	_ =	sdelay $0x4  }
0x91: {  	[tilespmem:v6+s9+$0x0] =	vst.idx.msk $0xffff, v2  }
0x92: {  	v6 =	vld [tilespmem:s15+$0x30];
	_ =	sdelay $0x4  }
0x93: {  	v7 =	vshll.u32 v6, $0x3  }
0x94: {  	v6 =	vand.u32 $0x7F, v6;
	v7 =	vand.u32 $0xFFFFFC00, v7  }
0x95: {  	v6 =	vor.u32 v6, v7  }
0x96: {  	v6 =	vadd.s32 v5, v6;
	_ =	sdelay $0x3  }
0x97: {  	s16 =	sadd.s32 s14, s7  }
0x98: {  	s17 =	sadd.s32 $0x38000, s16;
	[tilespmem:v6+s9+$0x0] =	vst.idx.msk $0x3, v2  }
0x99: {  	[hbm4b:s17+s2] =	stream.linear.scatter [tilespmem:s9], [sflag:$0x1], $0xE000, $0x38;
	[tilespmem:$0x1C680] =	vst v63  }
0x9a: {  	_ =	swait.ge [sflag:s12], $0xE000  }
0x9b: {  	[sflag:s12] =	ssyncset.done $0x0  }
0x9c: {  	[sflag:s12] =	ssyncadd.s32 $0xFFFF2000  }
0x9d: {  	v6 =	vld [tilespmem:s15+$0xFFFFFFCE];
	_ =	sdelay $0x4  }
0x9e: {  	v7 =	vshll.u32 v6, $0x3  }
0x9f: {  	v6 =	vand.u32 $0x7F, v6;
	v7 =	vand.u32 $0xFFFFFC00, v7  }
0xa0: {  	v6 =	vor.u32 v6, v7  }
0xa1: {  	v6 =	vadd.s32 v1, v6;
	_ =	sdelay $0x4  }
0xa2: {  	[tilespmem:v6+s10+$0x0] =	vst.idx.msk $0xffff, v0  }
0xa3: {  	v6 =	vld [tilespmem:s15+$0xFFFFFFDE];
	_ =	sdelay $0x4  }
0xa4: {  	v7 =	vshll.u32 v6, $0x3  }
0xa5: {  	v6 =	vand.u32 $0x7F, v6;
	v7 =	vand.u32 $0xFFFFFC00, v7  }
0xa6: {  	v6 =	vor.u32 v6, v7  }
0xa7: {  	v6 =	vadd.s32 v3, v6;
	_ =	sdelay $0x4  }
0xa8: {  	[tilespmem:v6+s10+$0x0] =	vst.idx.msk $0xffff, v0  }
0xa9: {  	v6 =	vld [tilespmem:s15+$0xFFFFFFEE];
	_ =	sdelay $0x4  }
0xaa: {  	v7 =	vshll.u32 v6, $0x3  }
0xab: {  	v6 =	vand.u32 $0x7F, v6;
	v7 =	vand.u32 $0xFFFFFC00, v7  }
0xac: {  	v6 =	vor.u32 v6, v7  }
0xad: {  	v6 =	vadd.s32 v4, v6;
	_ =	sdelay $0x4  }
0xae: {  	[tilespmem:v6+s10+$0x0] =	vst.idx.msk $0xffff, v0  }
0xaf: {  	v6 =	vld [tilespmem:s15+$0xFFFFFFFE];
	_ =	sdelay $0x4  }
0xb0: {  	v7 =	vshll.u32 v6, $0x3  }
0xb1: {  	v6 =	vand.u32 $0x7F, v6;
	v7 =	vand.u32 $0xFFFFFC00, v7  }
0xb2: {  	v6 =	vor.u32 v6, v7  }
0xb3: {  	v6 =	vadd.s32 v5, v6;
	_ =	sdelay $0x4  }
0xb4: {  	[tilespmem:v6+s10+$0x0] =	vst.idx.msk $0x3, v0  }
0xb5: {  	v6 =	vld [tilespmem:s15+$0x32];
	_ =	sdelay $0x4  }
0xb6: {  	v7 =	vshll.u32 v6, $0x3  }
0xb7: {  	v6 =	vand.u32 $0x7F, v6;
	v7 =	vand.u32 $0xFFFFFC00, v7  }
0xb8: {  	v6 =	vor.u32 v6, v7  }
0xb9: {  	v6 =	vadd.s32 v1, v6;
	_ =	sdelay $0x4  }
0xba: {  	[tilespmem:v6+s10+$0x0] =	vst.idx.msk $0xffff, v2  }
0xbb: {  	v6 =	vld [tilespmem:s15+$0x42];
	_ =	sdelay $0x4  }
0xbc: {  	v7 =	vshll.u32 v6, $0x3  }
0xbd: {  	v6 =	vand.u32 $0x7F, v6;
	v7 =	vand.u32 $0xFFFFFC00, v7  }
0xbe: {  	v6 =	vor.u32 v6, v7  }
0xbf: {  	v6 =	vadd.s32 v3, v6;
	_ =	sdelay $0x4  }
0xc0: {  	[tilespmem:v6+s10+$0x0] =	vst.idx.msk $0xffff, v2  }
0xc1: {  	v6 =	vld [tilespmem:s15+$0x52];
	_ =	sdelay $0x4  }
0xc2: {  	v7 =	vshll.u32 v6, $0x3  }
0xc3: {  	v6 =	vand.u32 $0x7F, v6;
	v7 =	vand.u32 $0xFFFFFC00, v7  }
0xc4: {  	v6 =	vor.u32 v6, v7  }
0xc5: {  	v6 =	vadd.s32 v4, v6;
	_ =	sdelay $0x4  }
0xc6: {  	[tilespmem:v6+s10+$0x0] =	vst.idx.msk $0xffff, v2  }
0xc7: {  	v6 =	vld [tilespmem:s15+$0x62];
	_ =	sdelay $0x4  }
0xc8: {  	v7 =	vshll.u32 v6, $0x3  }
0xc9: {  	v6 =	vand.u32 $0x7F, v6;
	v7 =	vand.u32 $0xFFFFFC00, v7  }
0xca: {  	v6 =	vor.u32 v6, v7  }
0xcb: {  	v6 =	vadd.s32 v5, v6  }
0xcc: {  	p0 =	sne.s32 s14, $0xFFFFC800  }
.Ltmp2:
0xcd: {  	_ = 	snop;
	(pc) =	sbr.rel @p0 .LBB2_6-.Ltmp2, $3  }
0xce: {  	_ =	sdelay $0x1  }
0xcf: {  	s14 =	sadd.s32 $0x3800, s14;
	s16 =	sadd.s32 $0x39C00, s16;
	s15 =	sadd.s32 $0x64, s15;
	[tilespmem:v6+s10+$0x0] =	vst.idx.msk $0x3, v2  }
0xd0: {  	[hbm4b:s16+s2] =	stream.linear.scatter [tilespmem:s10], [sflag:$0x2], $0xE000, $0x38;
	[tilespmem:$0x1C680] =	vst v63  }
0xd1: {  	s13 =	sadd.s32 $0x1, s13  }
0xd2: {  	_ =	swait.ge [sflag:s11], $0xE000;
	p0 =	sne.s32 s13, s6  }
.Ltmp3:
0xd3: {  	[sflag:s11] =	ssyncset.done $0x0;
	(pc) =	sbr.rel @p0 .LBB2_1-.Ltmp3, $4  }
0xd4: {  	[sflag:s11] =	ssyncadd.s32 $0xFFFF2000  }
0xd5: {  	_ =	swait.ge [sflag:s12], $0xE000  }
0xd6: {  	[sflag:s12] =	ssyncset.done $0x0  }
0xd7: {  	[sflag:s12] =	ssyncadd.s32 $0xFFFF2000  }
0xd8: {  	_ =	sfence.sel $0x180000  }
0xd9: {  	[bflag:$0x0] =	sbarrier.arrive $0xFFFF  }
0xda: {  	p0 =	sne.s32 s0, $0x0;
	_ =	strace $0x90000047  }
0xdb: {  	s0 =	sadd.s32 @!p0 $0x100000, s1;
	[bflag:$0x2] =	sbarrier.arrive $0xFFFF  }
0xdc: {  	[sflag:s0] =	ssyncadd.tile.s32 @!p0 $0x1;
	_ =	shalt  }
.Lfunc_end2:
_tile_overlayer_lowered:
.L_overlay_start_2:
0xdd: {  	(tag) =	ssettag $0x2  }
0xde: {  	s0 =	rddreg [dreg:$0x0];
	s2 =	stileid.u32  }
0xdf: {  	s1 =	rddreg [dreg:$0x1];
	p0 =	sne.s32 s2, $0x0  }
0xe0: {  	s3 =	rddreg [dreg:$0x2];
	[bflag:$0x3] =	sbarrier.arrive $0xFFFF;
	s2 =	simm.s32 @!p0 $0x1C03  }
0xe1: {  	[timem:s3], [sflag:s2] =	dma.local @!p0 [hbm:s0], s1  }
0xe2: {  	s0 =	simm.s32 @!p0 $0x3  }
0xe3: {  	_ =	swait.ge @!p0 [sflag:s0], s1  }
0xe4: {  	s1 =	ssub.s32 @!p0 $0x0, s1;
	[sflag:s0] =	ssyncset.done @!p0 $0x0  }
0xe5: {  	[sflag:s0] =	ssyncadd.s32 @!p0 s1  }
0xe6: {  	[bflag:$0x3] =	sbarrier.arrive $0xFFFF  }
0xe7: {  	_ =	shalt  }

</sc_bundles>
